<compile_context>
chip_gen: v7x
topology: tpu7x:2x2x1
jax: 0.10.2.dev20260603
libtpu: 0.0.44.dev20260713+nightly
codegen_flags: <defaults>
</compile_context>

<pallas_src>
import functools

import jax
import jax.numpy as jnp
from jax import lax
from jax.experimental import pallas as pl
from jax.experimental.pallas import tpu as pltpu
from jax.experimental.pallas import tpu_sc as plsc

_N = 16777216
_NC = 2
_NS = 16
_NW = _NC * _NS
_L = 16
_CHUNK = 16384

_N_SC = 14 * _NW * 16384
_N_TC = _N - _N_SC
_PER_W = _N_SC // _NW
_NCHUNK = _PER_W // _CHUNK
_VECS = _CHUNK // _L

_TC_BLK = 1 << 19
_TC_G = _N_TC // _TC_BLK


def _fnr_sc_body(x_hbm, t_hbm, out_hbm, xbuf, tbuf, obuf, sx0, sx1, st0, st1):
    wid = lax.axis_index("s") * _NC + lax.axis_index("c")
    base = wid * _PER_W
    sems_x = (sx0, sx1)
    sems_t = (st0, st1)

    def issue(i, b):
        off = pl.multiple_of(base + i * _CHUNK, _CHUNK)
        pltpu.make_async_copy(x_hbm.at[pl.ds(off, _CHUNK)], xbuf.at[b],
                              sems_x[b]).start()
        pltpu.make_async_copy(t_hbm.at[pl.ds(off, _CHUNK)], tbuf.at[b],
                              sems_t[b]).start()

    def wait_slot(b):
        pltpu.make_async_copy(x_hbm.at[pl.ds(0, _CHUNK)], xbuf.at[b],
                              sems_x[b]).wait()
        pltpu.make_async_copy(t_hbm.at[pl.ds(0, _CHUNK)], tbuf.at[b],
                              sems_t[b]).wait()

    def chunk_acc(b, carry):
        def body(j, carry):
            fn, pos = carry
            x = xbuf[b, pl.ds(j * _L, _L)]
            t = tbuf[b, pl.ds(j * _L, _L)]
            fn = fn + jnp.where(x < 0.5, t, 0)
            pos = pos + t
            return fn, pos

        return lax.fori_loop(0, _VECS, body, carry, unroll=4)

    issue(0, 0)
    zero = jnp.zeros((_L,), jnp.int32)

    def outer(g, carry):
        for b in range(2):
            i = g * 2 + b

            @pl.when(i + 1 < _NCHUNK)
            def _():
                issue(i + 1, 1 - b)

            wait_slot(b)
            carry = chunk_acc(b, carry)
        return carry

    carry = lax.fori_loop(0, _NCHUNK // 2, outer, (zero, zero))
    if _NCHUNK % 2:
        b_last = (_NCHUNK - 1) % 2
        wait_slot(b_last)
        carry = chunk_acc(b_last, carry)
    acc_fn, acc_pos = carry

    obuf[0, :] = acc_fn
    obuf[1, :] = acc_pos
    pltpu.sync_copy(obuf, out_hbm.at[wid])


_fnr_sc = functools.partial(
    pl.kernel,
    out_type=jax.ShapeDtypeStruct((_NW, 2, _L), jnp.int32),
    mesh=plsc.VectorSubcoreMesh(core_axis_name="c", subcore_axis_name="s"),
    scratch_types=[
        pltpu.VMEM((2, _CHUNK), jnp.float32),
        pltpu.VMEM((2, _CHUNK), jnp.int32),
        pltpu.VMEM((2, _L), jnp.int32),
        pltpu.SemaphoreType.DMA,
        pltpu.SemaphoreType.DMA,
        pltpu.SemaphoreType.DMA,
        pltpu.SemaphoreType.DMA,
    ],
)(_fnr_sc_body)


def _fnr_tc_body(x_ref, t_ref, o_ref):
    i = pl.program_id(0)

    @pl.when(i == 0)
    def _():
        o_ref[...] = jnp.zeros_like(o_ref)

    x = x_ref[...].reshape(-1, 8, 128)
    t = t_ref[...].reshape(-1, 8, 128)
    fnv = jnp.sum(jnp.where(x < 0.5, t, 0), axis=0)
    posv = jnp.sum(t, axis=0)
    o_ref[0] += fnv
    o_ref[1] += posv


_fnr_tc = pl.pallas_call(
    _fnr_tc_body,
    grid=(_TC_G,),
    in_specs=[
        pl.BlockSpec((_TC_BLK,), lambda i: (i + _N_SC // _TC_BLK,)),
        pl.BlockSpec((_TC_BLK,), lambda i: (i + _N_SC // _TC_BLK,)),
    ],
    out_specs=pl.BlockSpec((2, 8, 128), lambda i: (0, 0, 0)),
    out_shape=jax.ShapeDtypeStruct((2, 8, 128), jnp.int32),
)


@jax.jit
def kernel(inputs, targets):
    parts_tc = _fnr_tc(inputs, targets)
    parts_sc = _fnr_sc(inputs, targets)
    sums = parts_sc.sum(axis=(0, 2)) + parts_tc.sum(axis=(1, 2))
    fn = sums[0].astype(jnp.float32)
    pos = sums[1].astype(jnp.float32)
    return fn / jnp.maximum(pos, 1.0)

# --- scband reference (transcript-rebuilt; emitter-appended) ---
"""Pipeline reference for scband-false-negative-rate-64218351009887 (READ-ONLY COPY).

The authoritative reference and input builder live on the scoring server;
editing this copy changes nothing except your own understanding.
"""

import jax, jax.numpy as jnp
import numpy as np

N = 16777216

def setup_inputs(seed: int = 0) -> dict:
    key = jax.random.key(seed)
    k1, k2 = jax.random.split(key)
    inputs = jax.random.uniform(k1, (N,), dtype=jnp.float32)
    targets = jax.random.randint(k2, (N,), 0, 2, dtype=jnp.int32)
    return {"inputs": inputs, "targets": targets}

def reference(inputs, targets):
    # torchmetrics ConfusionMatrix(num_classes=2, normalize='true'):
    # float preds are binarized at threshold 0.5, then a 2x2 confusion
    # matrix is accumulated via histogram (scatter-add), row-normalized
    # by true-class counts. FNR = cm[1][0].
    preds = (inputs >= 0.5).astype(jnp.int32)
    t = targets.astype(jnp.int32)
    idx = t * 2 + preds  # flattened (true, pred) bin in [0, 4)
    counts = jnp.zeros((4,), dtype=jnp.float32).at[idx].add(1.0)
    cm = counts.reshape(2, 2)
    row_sums = cm.sum(axis=1, keepdims=True)
    cm_norm = cm / jnp.clip(row_sums, 1.0, None)
    # replicate torchmetrics nan->0 behavior for empty rows
    cm_norm = jnp.where(row_sums > 0, cm_norm, 0.0)
    return cm_norm[1, 0]

if __name__ == "__main__":
    import jax
    _d = setup_inputs()
    print(jax.jit(kernel)(*tuple(_d.values())))

</pallas_src>

<mosaic_0001>
#map = affine_map<(d0, d1) -> (0)>
#map1 = affine_map<(d0, d1) -> (0, 0, 0)>
module attributes {stable_mosaic.version = 14 : i64} {
  func.func @_fnr_sc_body(%arg0: i32, %arg1: i32, %arg2: memref<16777216xf32, #tpu.memory_space<hbm>>, %arg3: memref<16777216xi32, #tpu.memory_space<hbm>>, %arg4: memref<32x2x16xi32, #tpu.memory_space<hbm>>, %arg5: memref<2x16384xf32, #tpu.memory_space<vmem>>, %arg6: memref<2x16384xi32, #tpu.memory_space<vmem>>, %arg7: memref<2x16xi32, #tpu.memory_space<vmem>>, %arg8: memref<!tpu.dma_semaphore, #tpu.memory_space<semaphore_mem>>, %arg9: memref<!tpu.dma_semaphore, #tpu.memory_space<semaphore_mem>>, %arg10: memref<!tpu.dma_semaphore, #tpu.memory_space<semaphore_mem>>, %arg11: memref<!tpu.dma_semaphore, #tpu.memory_space<semaphore_mem>>) attributes {dimension_semantics = [#tpu.dimension_semantics<core_parallel>, #tpu.dimension_semantics<subcore_parallel>], iteration_bounds = array<i64: 2, 16>, scalar_prefetch = 0 : i64, scratch_operands = 7 : i64, tpu.core_type = #tpu.core_type<sc_vector_subcore>, window_params = [{transform_indices = #map}, {transform_indices = #map}, {transform_indices = #map1}]} {
    %mul3A = arith.constant 2 : i32
    %mul3A_0 = arith.muli %arg1, %mul3A : i32
    %add3A = arith.addi %mul3A_0, %arg0 : i32
    %mul3A_1 = arith.constant 229376 : i32
    %mul3A_2 = arith.muli %add3A, %mul3A_1 : i32
    %add3A_3 = arith.constant 0 : i32
    %add3A_4 = arith.addi %mul3A_2, %add3A_3 : i32
    %multiple_of3A = tpu.assume_multiple %add3A_4, 16384 : i32
    %dma_start3A = arith.constant 0 : i32
    %dma_start3A_5 = arith.constant 0 : i32
    %dma_start3A_6 = tpu.memref_slice %arg5[%dma_start3A, %dma_start3A_5] : memref<2x16384xf32, #tpu.memory_space<vmem>> -> memref<1x16384xf32, #tpu.memory_space<vmem>>
    %dma_start3A_7 = tpu.memref_squeeze %dma_start3A_6 : memref<1x16384xf32, #tpu.memory_space<vmem>> -> memref<16384xf32, #tpu.memory_space<vmem>>
    %dma_start3A_8 = tpu.memref_slice %arg2[%multiple_of3A] : memref<16777216xf32, #tpu.memory_space<hbm>> -> memref<16384xf32, #tpu.memory_space<hbm>>
    %dma_start3A_9 = arith.constant 0 : i32
    %dma_start3A_10 = tpu.memref_slice %arg5[%dma_start3A, %dma_start3A_9] : memref<2x16384xf32, #tpu.memory_space<vmem>> -> memref<1x16384xf32, #tpu.memory_space<vmem>>
    %dma_start3A_11 = tpu.memref_squeeze %dma_start3A_10 : memref<1x16384xf32, #tpu.memory_space<vmem>> -> memref<16384xf32, #tpu.memory_space<vmem>>
    %dma_start3A_12 = tpu.memref_slice %arg2[%multiple_of3A] : memref<16777216xf32, #tpu.memory_space<hbm>> -> memref<16384xf32, #tpu.memory_space<hbm>>
    tpu.enqueue_dma source(%dma_start3A_12 : memref<16384xf32, #tpu.memory_space<hbm>>) target(%dma_start3A_11 : memref<16384xf32, #tpu.memory_space<vmem>>) target_semaphore(%arg8 : memref<!tpu.dma_semaphore, #tpu.memory_space<semaphore_mem>>)
    %dma_start3A_13 = arith.constant 0 : i32
    %dma_start3A_14 = arith.constant 0 : i32
    %dma_start3A_15 = tpu.memref_slice %arg6[%dma_start3A_13, %dma_start3A_14] : memref<2x16384xi32, #tpu.memory_space<vmem>> -> memref<1x16384xi32, #tpu.memory_space<vmem>>
    %dma_start3A_16 = tpu.memref_squeeze %dma_start3A_15 : memref<1x16384xi32, #tpu.memory_space<vmem>> -> memref<16384xi32, #tpu.memory_space<vmem>>
    %dma_start3A_17 = tpu.memref_slice %arg3[%multiple_of3A] : memref<16777216xi32, #tpu.memory_space<hbm>> -> memref<16384xi32, #tpu.memory_space<hbm>>
    %dma_start3A_18 = arith.constant 0 : i32
    %dma_start3A_19 = tpu.memref_slice %arg6[%dma_start3A_13, %dma_start3A_18] : memref<2x16384xi32, #tpu.memory_space<vmem>> -> memref<1x16384xi32, #tpu.memory_space<vmem>>
    %dma_start3A_20 = tpu.memref_squeeze %dma_start3A_19 : memref<1x16384xi32, #tpu.memory_space<vmem>> -> memref<16384xi32, #tpu.memory_space<vmem>>
    %dma_start3A_21 = tpu.memref_slice %arg3[%multiple_of3A] : memref<16777216xi32, #tpu.memory_space<hbm>> -> memref<16384xi32, #tpu.memory_space<hbm>>
    tpu.enqueue_dma source(%dma_start3A_21 : memref<16384xi32, #tpu.memory_space<hbm>>) target(%dma_start3A_20 : memref<16384xi32, #tpu.memory_space<vmem>>) target_semaphore(%arg10 : memref<!tpu.dma_semaphore, #tpu.memory_space<semaphore_mem>>)
    %broadcast_in_dim3A = arith.constant 0 : i32
    %broadcast_in_dim3A_22 = vector.broadcast %broadcast_in_dim3A : i32 to vector<16xi32>
    %scan3A = arith.constant 0 : i32
    %scan3A_23 = arith.constant 7 : i32
    %scan3A_24 = arith.addi %scan3A, %scan3A_23 : i32
    %scan3A_25 = arith.constant 1 : i32
    %scan3A_26:2 = scf.for %scan3A_39 = %scan3A to %scan3A_24 step %scan3A_25 iter_args(%scan3A_40 = %broadcast_in_dim3A_22, %scan3A_41 = %broadcast_in_dim3A_22) -> (vector<16xi32>, vector<16xi32>)  : i32 {
      %mul3A_42 = arith.constant 2 : i32
      %mul3A_43 = arith.muli %scan3A_39, %mul3A_42 : i32
      %add3A_44 = arith.constant 0 : i32
      %add3A_45 = arith.addi %mul3A_43, %add3A_44 : i32
      %add3A_46 = arith.constant 1 : i32
      %add3A_47 = arith.addi %add3A_45, %add3A_46 : i32
      %lt3A = arith.constant 14 : i32
      %lt3A_48 = arith.cmpi slt, %add3A_47, %lt3A : i32
      %convert_element_type3A = arith.extui %lt3A_48 : i1 to i32
      %cond3A = arith.constant 0 : i32
      %cond3A_49 = arith.cmpi ne, %convert_element_type3A, %cond3A : i32
      scf.if %cond3A_49 {
        %add3A_116 = arith.constant 1 : i32
        %add3A_117 = arith.addi %add3A_45, %add3A_116 : i32
        %mul3A_118 = arith.constant 16384 : i32
        %mul3A_119 = arith.muli %add3A_117, %mul3A_118 : i32
        %add3A_120 = arith.addi %mul3A_2, %mul3A_119 : i32
        %multiple_of3A_121 = tpu.assume_multiple %add3A_120, 16384 : i32
        %dma_start3A_122 = arith.constant 1 : i32
        %dma_start3A_123 = arith.constant 0 : i32
        %dma_start3A_124 = tpu.memref_slice %arg5[%dma_start3A_122, %dma_start3A_123] : memref<2x16384xf32, #tpu.memory_space<vmem>> -> memref<1x16384xf32, #tpu.memory_space<vmem>>
        %dma_start3A_125 = tpu.memref_squeeze %dma_start3A_124 : memref<1x16384xf32, #tpu.memory_space<vmem>> -> memref<16384xf32, #tpu.memory_space<vmem>>
        %dma_start3A_126 = tpu.memref_slice %arg2[%multiple_of3A_121] : memref<16777216xf32, #tpu.memory_space<hbm>> -> memref<16384xf32, #tpu.memory_space<hbm>>
        %dma_start3A_127 = arith.constant 0 : i32
        %dma_start3A_128 = tpu.memref_slice %arg5[%dma_start3A_122, %dma_start3A_127] : memref<2x16384xf32, #tpu.memory_space<vmem>> -> memref<1x16384xf32, #tpu.memory_space<vmem>>
        %dma_start3A_129 = tpu.memref_squeeze %dma_start3A_128 : memref<1x16384xf32, #tpu.memory_space<vmem>> -> memref<16384xf32, #tpu.memory_space<vmem>>
        %dma_start3A_130 = tpu.memref_slice %arg2[%multiple_of3A_121] : memref<16777216xf32, #tpu.memory_space<hbm>> -> memref<16384xf32, #tpu.memory_space<hbm>>
        tpu.enqueue_dma source(%dma_start3A_130 : memref<16384xf32, #tpu.memory_space<hbm>>) target(%dma_start3A_129 : memref<16384xf32, #tpu.memory_space<vmem>>) target_semaphore(%arg9 : memref<!tpu.dma_semaphore, #tpu.memory_space<semaphore_mem>>)
        %dma_start3A_131 = arith.constant 1 : i32
        %dma_start3A_132 = arith.constant 0 : i32
        %dma_start3A_133 = tpu.memref_slice %arg6[%dma_start3A_131, %dma_start3A_132] : memref<2x16384xi32, #tpu.memory_space<vmem>> -> memref<1x16384xi32, #tpu.memory_space<vmem>>
        %dma_start3A_134 = tpu.memref_squeeze %dma_start3A_133 : memref<1x16384xi32, #tpu.memory_space<vmem>> -> memref<16384xi32, #tpu.memory_space<vmem>>
        %dma_start3A_135 = tpu.memref_slice %arg3[%multiple_of3A_121] : memref<16777216xi32, #tpu.memory_space<hbm>> -> memref<16384xi32, #tpu.memory_space<hbm>>
        %dma_start3A_136 = arith.constant 0 : i32
        %dma_start3A_137 = tpu.memref_slice %arg6[%dma_start3A_131, %dma_start3A_136] : memref<2x16384xi32, #tpu.memory_space<vmem>> -> memref<1x16384xi32, #tpu.memory_space<vmem>>
        %dma_start3A_138 = tpu.memref_squeeze %dma_start3A_137 : memref<1x16384xi32, #tpu.memory_space<vmem>> -> memref<16384xi32, #tpu.memory_space<vmem>>
        %dma_start3A_139 = tpu.memref_slice %arg3[%multiple_of3A_121] : memref<16777216xi32, #tpu.memory_space<hbm>> -> memref<16384xi32, #tpu.memory_space<hbm>>
        tpu.enqueue_dma source(%dma_start3A_139 : memref<16384xi32, #tpu.memory_space<hbm>>) target(%dma_start3A_138 : memref<16384xi32, #tpu.memory_space<vmem>>) target_semaphore(%arg11 : memref<!tpu.dma_semaphore, #tpu.memory_space<semaphore_mem>>)
      } else {
      }
      %dma_wait3A = arith.constant 0 : i32
      %dma_wait3A_50 = arith.constant 0 : i32
      %dma_wait3A_51 = tpu.memref_slice %arg5[%dma_wait3A, %dma_wait3A_50] : memref<2x16384xf32, #tpu.memory_space<vmem>> -> memref<1x16384xf32, #tpu.memory_space<vmem>>
      %dma_wait3A_52 = tpu.memref_squeeze %dma_wait3A_51 : memref<1x16384xf32, #tpu.memory_space<vmem>> -> memref<16384xf32, #tpu.memory_space<vmem>>
      %dma_wait3A_53 = arith.constant 0 : i32
      %dma_wait3A_54 = tpu.memref_slice %arg2[%dma_wait3A_53] : memref<16777216xf32, #tpu.memory_space<hbm>> -> memref<16384xf32, #tpu.memory_space<hbm>>
      %dma_wait3A_55 = arith.constant 0 : i32
      %dma_wait3A_56 = tpu.memref_slice %arg5[%dma_wait3A, %dma_wait3A_55] : memref<2x16384xf32, #tpu.memory_space<vmem>> -> memref<1x16384xf32, #tpu.memory_space<vmem>>
      %dma_wait3A_57 = tpu.memref_squeeze %dma_wait3A_56 : memref<1x16384xf32, #tpu.memory_space<vmem>> -> memref<16384xf32, #tpu.memory_space<vmem>>
      %dma_wait3A_58 = arith.constant 0 : i32
      %dma_wait3A_59 = tpu.memref_slice %arg2[%dma_wait3A_58] : memref<16777216xf32, #tpu.memory_space<hbm>> -> memref<16384xf32, #tpu.memory_space<hbm>>
      tpu.wait_dma2 semaphore(%arg8 : memref<!tpu.dma_semaphore, #tpu.memory_space<semaphore_mem>>) src(%dma_wait3A_59 : memref<16384xf32, #tpu.memory_space<hbm>>) dst(%dma_wait3A_57 : memref<16384xf32, #tpu.memory_space<vmem>>)
      %dma_wait3A_60 = arith.constant 0 : i32
      %dma_wait3A_61 = arith.constant 0 : i32
      %dma_wait3A_62 = tpu.memref_slice %arg6[%dma_wait3A_60, %dma_wait3A_61] : memref<2x16384xi32, #tpu.memory_space<vmem>> -> memref<1x16384xi32, #tpu.memory_space<vmem>>
      %dma_wait3A_63 = tpu.memref_squeeze %dma_wait3A_62 : memref<1x16384xi32, #tpu.memory_space<vmem>> -> memref<16384xi32, #tpu.memory_space<vmem>>
      %dma_wait3A_64 = arith.constant 0 : i32
      %dma_wait3A_65 = tpu.memref_slice %arg3[%dma_wait3A_64] : memref<16777216xi32, #tpu.memory_space<hbm>> -> memref<16384xi32, #tpu.memory_space<hbm>>
      %dma_wait3A_66 = arith.constant 0 : i32
      %dma_wait3A_67 = tpu.memref_slice %arg6[%dma_wait3A_60, %dma_wait3A_66] : memref<2x16384xi32, #tpu.memory_space<vmem>> -> memref<1x16384xi32, #tpu.memory_space<vmem>>
      %dma_wait3A_68 = tpu.memref_squeeze %dma_wait3A_67 : memref<1x16384xi32, #tpu.memory_space<vmem>> -> memref<16384xi32, #tpu.memory_space<vmem>>
      %dma_wait3A_69 = arith.constant 0 : i32
      %dma_wait3A_70 = tpu.memref_slice %arg3[%dma_wait3A_69] : memref<16777216xi32, #tpu.memory_space<hbm>> -> memref<16384xi32, #tpu.memory_space<hbm>>
      tpu.wait_dma2 semaphore(%arg10 : memref<!tpu.dma_semaphore, #tpu.memory_space<semaphore_mem>>) src(%dma_wait3A_70 : memref<16384xi32, #tpu.memory_space<hbm>>) dst(%dma_wait3A_68 : memref<16384xi32, #tpu.memory_space<vmem>>)
      %scan3A_71 = arith.constant 0 : i32
      %scan3A_72 = arith.constant 1024 : i32
      %scan3A_73 = arith.addi %scan3A_71, %scan3A_72 : i32
      %scan3A_74 = arith.constant 4 : i32
      %scan3A_75:2 = scf.for %scan3A_116 = %scan3A_71 to %scan3A_73 step %scan3A_74 iter_args(%scan3A_117 = %scan3A_40, %scan3A_118 = %scan3A_41) -> (vector<16xi32>, vector<16xi32>)  : i32 {
        %mul3A_119 = arith.constant 16 : i32
        %mul3A_120 = arith.muli %scan3A_116, %mul3A_119 : i32
        %get3A = arith.constant 0 : i32
        %get3A_121 = arith.index_cast %get3A : i32 to index
        %get3A_122 = arith.index_cast %mul3A_120 : i32 to index
        %get3A_123 = tpu.vector_load %arg5[%get3A_121, %get3A_122] {strides = array<i32>} : memref<2x16384xf32, #tpu.memory_space<vmem>>, vector<1x16xf32>,
        %get3A_124 = vector.shape_cast %get3A_123 : vector<1x16xf32> to vector<16xf32>
        %mul3A_125 = arith.constant 16 : i32
        %mul3A_126 = arith.muli %scan3A_116, %mul3A_125 : i32
        %get3A_127 = arith.constant 0 : i32
        %get3A_128 = arith.index_cast %get3A_127 : i32 to index
        %get3A_129 = arith.index_cast %mul3A_126 : i32 to index
        %get3A_130 = tpu.vector_load %arg6[%get3A_128, %get3A_129] {strides = array<i32>} : memref<2x16384xi32, #tpu.memory_space<vmem>>, vector<1x16xi32>,
        %get3A_131 = vector.shape_cast %get3A_130 : vector<1x16xi32> to vector<16xi32>
        %lt3A_132 = arith.constant 5.000000e-01 : f32
        %lt3A_133 = vector.broadcast %lt3A_132 : f32 to vector<16xf32>
        %lt3A_134 = arith.cmpf olt, %get3A_124, %lt3A_133 : vector<16xf32>
        %jit3A = arith.constant 0 : i32
        %broadcast_in_dim3A_135 = vector.broadcast %jit3A : i32 to vector<16xi32>
        %select_n3A = arith.select %lt3A_134, %get3A_131, %broadcast_in_dim3A_135 : vector<16xi1>, vector<16xi32>
        %add3A_136 = arith.addi %scan3A_117, %select_n3A : vector<16xi32>
        %add3A_137 = arith.addi %scan3A_118, %get3A_131 : vector<16xi32>
        %scan3A_138 = arith.constant 1 : i32
        %scan3A_139 = arith.addi %scan3A_116, %scan3A_138 : i32
        %mul3A_140 = arith.constant 16 : i32
        %mul3A_141 = arith.muli %scan3A_139, %mul3A_140 : i32
        %get3A_142 = arith.constant 0 : i32
        %get3A_143 = arith.index_cast %get3A_142 : i32 to index
        %get3A_144 = arith.index_cast %mul3A_141 : i32 to index
        %get3A_145 = tpu.vector_load %arg5[%get3A_143, %get3A_144] {strides = array<i32>} : memref<2x16384xf32, #tpu.memory_space<vmem>>, vector<1x16xf32>,
        %get3A_146 = vector.shape_cast %get3A_145 : vector<1x16xf32> to vector<16xf32>
        %mul3A_147 = arith.constant 16 : i32
        %mul3A_148 = arith.muli %scan3A_139, %mul3A_147 : i32
        %get3A_149 = arith.constant 0 : i32
        %get3A_150 = arith.index_cast %get3A_149 : i32 to index
        %get3A_151 = arith.index_cast %mul3A_148 : i32 to index
        %get3A_152 = tpu.vector_load %arg6[%get3A_150, %get3A_151] {strides = array<i32>} : memref<2x16384xi32, #tpu.memory_space<vmem>>, vector<1x16xi32>,
        %get3A_153 = vector.shape_cast %get3A_152 : vector<1x16xi32> to vector<16xi32>
        %lt3A_154 = arith.constant 5.000000e-01 : f32
        %lt3A_155 = vector.broadcast %lt3A_154 : f32 to vector<16xf32>
        %lt3A_156 = arith.cmpf olt, %get3A_146, %lt3A_155 : vector<16xf32>
        %jit3A_157 = arith.constant 0 : i32
        %broadcast_in_dim3A_158 = vector.broadcast %jit3A_157 : i32 to vector<16xi32>
        %select_n3A_159 = arith.select %lt3A_156, %get3A_153, %broadcast_in_dim3A_158 : vector<16xi1>, vector<16xi32>
        %add3A_160 = arith.addi %add3A_136, %select_n3A_159 : vector<16xi32>
        %add3A_161 = arith.addi %add3A_137, %get3A_153 : vector<16xi32>
        %scan3A_162 = arith.constant 2 : i32
        %scan3A_163 = arith.addi %scan3A_116, %scan3A_162 : i32
        %mul3A_164 = arith.constant 16 : i32
        %mul3A_165 = arith.muli %scan3A_163, %mul3A_164 : i32
        %get3A_166 = arith.constant 0 : i32
        %get3A_167 = arith.index_cast %get3A_166 : i32 to index
        %get3A_168 = arith.index_cast %mul3A_165 : i32 to index
        %get3A_169 = tpu.vector_load %arg5[%get3A_167, %get3A_168] {strides = array<i32>} : memref<2x16384xf32, #tpu.memory_space<vmem>>, vector<1x16xf32>,
        %get3A_170 = vector.shape_cast %get3A_169 : vector<1x16xf32> to vector<16xf32>
        %mul3A_171 = arith.constant 16 : i32
        %mul3A_172 = arith.muli %scan3A_163, %mul3A_171 : i32
        %get3A_173 = arith.constant 0 : i32
        %get3A_174 = arith.index_cast %get3A_173 : i32 to index
        %get3A_175 = arith.index_cast %mul3A_172 : i32 to index
        %get3A_176 = tpu.vector_load %arg6[%get3A_174, %get3A_175] {strides = array<i32>} : memref<2x16384xi32, #tpu.memory_space<vmem>>, vector<1x16xi32>,
        %get3A_177 = vector.shape_cast %get3A_176 : vector<1x16xi32> to vector<16xi32>
        %lt3A_178 = arith.constant 5.000000e-01 : f32
        %lt3A_179 = vector.broadcast %lt3A_178 : f32 to vector<16xf32>
        %lt3A_180 = arith.cmpf olt, %get3A_170, %lt3A_179 : vector<16xf32>
        %jit3A_181 = arith.constant 0 : i32
        %broadcast_in_dim3A_182 = vector.broadcast %jit3A_181 : i32 to vector<16xi32>
        %select_n3A_183 = arith.select %lt3A_180, %get3A_177, %broadcast_in_dim3A_182 : vector<16xi1>, vector<16xi32>
        %add3A_184 = arith.addi %add3A_160, %select_n3A_183 : vector<16xi32>
        %add3A_185 = arith.addi %add3A_161, %get3A_177 : vector<16xi32>
        %scan3A_186 = arith.constant 3 : i32
        %scan3A_187 = arith.addi %scan3A_116, %scan3A_186 : i32
        %mul3A_188 = arith.constant 16 : i32
        %mul3A_189 = arith.muli %scan3A_187, %mul3A_188 : i32
        %get3A_190 = arith.constant 0 : i32
        %get3A_191 = arith.index_cast %get3A_190 : i32 to index
        %get3A_192 = arith.index_cast %mul3A_189 : i32 to index
        %get3A_193 = tpu.vector_load %arg5[%get3A_191, %get3A_192] {strides = array<i32>} : memref<2x16384xf32, #tpu.memory_space<vmem>>, vector<1x16xf32>,
        %get3A_194 = vector.shape_cast %get3A_193 : vector<1x16xf32> to vector<16xf32>
        %mul3A_195 = arith.constant 16 : i32
        %mul3A_196 = arith.muli %scan3A_187, %mul3A_195 : i32
        %get3A_197 = arith.constant 0 : i32
        %get3A_198 = arith.index_cast %get3A_197 : i32 to index
        %get3A_199 = arith.index_cast %mul3A_196 : i32 to index
        %get3A_200 = tpu.vector_load %arg6[%get3A_198, %get3A_199] {strides = array<i32>} : memref<2x16384xi32, #tpu.memory_space<vmem>>, vector<1x16xi32>,
        %get3A_201 = vector.shape_cast %get3A_200 : vector<1x16xi32> to vector<16xi32>
        %lt3A_202 = arith.constant 5.000000e-01 : f32
        %lt3A_203 = vector.broadcast %lt3A_202 : f32 to vector<16xf32>
        %lt3A_204 = arith.cmpf olt, %get3A_194, %lt3A_203 : vector<16xf32>
        %jit3A_205 = arith.constant 0 : i32
        %broadcast_in_dim3A_206 = vector.broadcast %jit3A_205 : i32 to vector<16xi32>
        %select_n3A_207 = arith.select %lt3A_204, %get3A_201, %broadcast_in_dim3A_206 : vector<16xi1>, vector<16xi32>
        %add3A_208 = arith.addi %add3A_184, %select_n3A_207 : vector<16xi32>
        %add3A_209 = arith.addi %add3A_185, %get3A_201 : vector<16xi32>
        scf.yield %add3A_208, %add3A_209 : vector<16xi32>, vector<16xi32>
      }
      %scan3A_76 = arith.constant 1024 : i32
      %mul3A_77 = arith.constant 2 : i32
      %mul3A_78 = arith.muli %scan3A_39, %mul3A_77 : i32
      %add3A_79 = arith.constant 1 : i32
      %add3A_80 = arith.addi %mul3A_78, %add3A_79 : i32
      %add3A_81 = arith.constant 1 : i32
      %add3A_82 = arith.addi %add3A_80, %add3A_81 : i32
      %lt3A_83 = arith.constant 14 : i32
      %lt3A_84 = arith.cmpi slt, %add3A_82, %lt3A_83 : i32
      %convert_element_type3A_85 = arith.extui %lt3A_84 : i1 to i32
      %cond3A_86 = arith.constant 0 : i32
      %cond3A_87 = arith.cmpi ne, %convert_element_type3A_85, %cond3A_86 : i32
      scf.if %cond3A_87 {
        %add3A_116 = arith.constant 1 : i32
        %add3A_117 = arith.addi %add3A_80, %add3A_116 : i32
        %mul3A_118 = arith.constant 16384 : i32
        %mul3A_119 = arith.muli %add3A_117, %mul3A_118 : i32
        %add3A_120 = arith.addi %mul3A_2, %mul3A_119 : i32
        %multiple_of3A_121 = tpu.assume_multiple %add3A_120, 16384 : i32
        %dma_start3A_122 = arith.constant 0 : i32
        %dma_start3A_123 = arith.constant 0 : i32
        %dma_start3A_124 = tpu.memref_slice %arg5[%dma_start3A_122, %dma_start3A_123] : memref<2x16384xf32, #tpu.memory_space<vmem>> -> memref<1x16384xf32, #tpu.memory_space<vmem>>
        %dma_start3A_125 = tpu.memref_squeeze %dma_start3A_124 : memref<1x16384xf32, #tpu.memory_space<vmem>> -> memref<16384xf32, #tpu.memory_space<vmem>>
        %dma_start3A_126 = tpu.memref_slice %arg2[%multiple_of3A_121] : memref<16777216xf32, #tpu.memory_space<hbm>> -> memref<16384xf32, #tpu.memory_space<hbm>>
        %dma_start3A_127 = arith.constant 0 : i32
        %dma_start3A_128 = tpu.memref_slice %arg5[%dma_start3A_122, %dma_start3A_127] : memref<2x16384xf32, #tpu.memory_space<vmem>> -> memref<1x16384xf32, #tpu.memory_space<vmem>>
        %dma_start3A_129 = tpu.memref_squeeze %dma_start3A_128 : memref<1x16384xf32, #tpu.memory_space<vmem>> -> memref<16384xf32, #tpu.memory_space<vmem>>
        %dma_start3A_130 = tpu.memref_slice %arg2[%multiple_of3A_121] : memref<16777216xf32, #tpu.memory_space<hbm>> -> memref<16384xf32, #tpu.memory_space<hbm>>
        tpu.enqueue_dma source(%dma_start3A_130 : memref<16384xf32, #tpu.memory_space<hbm>>) target(%dma_start3A_129 : memref<16384xf32, #tpu.memory_space<vmem>>) target_semaphore(%arg8 : memref<!tpu.dma_semaphore, #tpu.memory_space<semaphore_mem>>)
        %dma_start3A_131 = arith.constant 0 : i32
        %dma_start3A_132 = arith.constant 0 : i32
        %dma_start3A_133 = tpu.memref_slice %arg6[%dma_start3A_131, %dma_start3A_132] : memref<2x16384xi32, #tpu.memory_space<vmem>> -> memref<1x16384xi32, #tpu.memory_space<vmem>>
        %dma_start3A_134 = tpu.memref_squeeze %dma_start3A_133 : memref<1x16384xi32, #tpu.memory_space<vmem>> -> memref<16384xi32, #tpu.memory_space<vmem>>
        %dma_start3A_135 = tpu.memref_slice %arg3[%multiple_of3A_121] : memref<16777216xi32, #tpu.memory_space<hbm>> -> memref<16384xi32, #tpu.memory_space<hbm>>
        %dma_start3A_136 = arith.constant 0 : i32
        %dma_start3A_137 = tpu.memref_slice %arg6[%dma_start3A_131, %dma_start3A_136] : memref<2x16384xi32, #tpu.memory_space<vmem>> -> memref<1x16384xi32, #tpu.memory_space<vmem>>
        %dma_start3A_138 = tpu.memref_squeeze %dma_start3A_137 : memref<1x16384xi32, #tpu.memory_space<vmem>> -> memref<16384xi32, #tpu.memory_space<vmem>>
        %dma_start3A_139 = tpu.memref_slice %arg3[%multiple_of3A_121] : memref<16777216xi32, #tpu.memory_space<hbm>> -> memref<16384xi32, #tpu.memory_space<hbm>>
        tpu.enqueue_dma source(%dma_start3A_139 : memref<16384xi32, #tpu.memory_space<hbm>>) target(%dma_start3A_138 : memref<16384xi32, #tpu.memory_space<vmem>>) target_semaphore(%arg10 : memref<!tpu.dma_semaphore, #tpu.memory_space<semaphore_mem>>)
      } else {
      }
      %dma_wait3A_88 = arith.constant 1 : i32
      %dma_wait3A_89 = arith.constant 0 : i32
      %dma_wait3A_90 = tpu.memref_slice %arg5[%dma_wait3A_88, %dma_wait3A_89] : memref<2x16384xf32, #tpu.memory_space<vmem>> -> memref<1x16384xf32, #tpu.memory_space<vmem>>
      %dma_wait3A_91 = tpu.memref_squeeze %dma_wait3A_90 : memref<1x16384xf32, #tpu.memory_space<vmem>> -> memref<16384xf32, #tpu.memory_space<vmem>>
      %dma_wait3A_92 = arith.constant 0 : i32
      %dma_wait3A_93 = tpu.memref_slice %arg2[%dma_wait3A_92] : memref<16777216xf32, #tpu.memory_space<hbm>> -> memref<16384xf32, #tpu.memory_space<hbm>>
      %dma_wait3A_94 = arith.constant 0 : i32
      %dma_wait3A_95 = tpu.memref_slice %arg5[%dma_wait3A_88, %dma_wait3A_94] : memref<2x16384xf32, #tpu.memory_space<vmem>> -> memref<1x16384xf32, #tpu.memory_space<vmem>>
      %dma_wait3A_96 = tpu.memref_squeeze %dma_wait3A_95 : memref<1x16384xf32, #tpu.memory_space<vmem>> -> memref<16384xf32, #tpu.memory_space<vmem>>
      %dma_wait3A_97 = arith.constant 0 : i32
      %dma_wait3A_98 = tpu.memref_slice %arg2[%dma_wait3A_97] : memref<16777216xf32, #tpu.memory_space<hbm>> -> memref<16384xf32, #tpu.memory_space<hbm>>
      tpu.wait_dma2 semaphore(%arg9 : memref<!tpu.dma_semaphore, #tpu.memory_space<semaphore_mem>>) src(%dma_wait3A_98 : memref<16384xf32, #tpu.memory_space<hbm>>) dst(%dma_wait3A_96 : memref<16384xf32, #tpu.memory_space<vmem>>)
      %dma_wait3A_99 = arith.constant 1 : i32
      %dma_wait3A_100 = arith.constant 0 : i32
      %dma_wait3A_101 = tpu.memref_slice %arg6[%dma_wait3A_99, %dma_wait3A_100] : memref<2x16384xi32, #tpu.memory_space<vmem>> -> memref<1x16384xi32, #tpu.memory_space<vmem>>
      %dma_wait3A_102 = tpu.memref_squeeze %dma_wait3A_101 : memref<1x16384xi32, #tpu.memory_space<vmem>> -> memref<16384xi32, #tpu.memory_space<vmem>>
      %dma_wait3A_103 = arith.constant 0 : i32
      %dma_wait3A_104 = tpu.memref_slice %arg3[%dma_wait3A_103] : memref<16777216xi32, #tpu.memory_space<hbm>> -> memref<16384xi32, #tpu.memory_space<hbm>>
      %dma_wait3A_105 = arith.constant 0 : i32
      %dma_wait3A_106 = tpu.memref_slice %arg6[%dma_wait3A_99, %dma_wait3A_105] : memref<2x16384xi32, #tpu.memory_space<vmem>> -> memref<1x16384xi32, #tpu.memory_space<vmem>>
      %dma_wait3A_107 = tpu.memref_squeeze %dma_wait3A_106 : memref<1x16384xi32, #tpu.memory_space<vmem>> -> memref<16384xi32, #tpu.memory_space<vmem>>
      %dma_wait3A_108 = arith.constant 0 : i32
      %dma_wait3A_109 = tpu.memref_slice %arg3[%dma_wait3A_108] : memref<16777216xi32, #tpu.memory_space<hbm>> -> memref<16384xi32, #tpu.memory_space<hbm>>
      tpu.wait_dma2 semaphore(%arg11 : memref<!tpu.dma_semaphore, #tpu.memory_space<semaphore_mem>>) src(%dma_wait3A_109 : memref<16384xi32, #tpu.memory_space<hbm>>) dst(%dma_wait3A_107 : memref<16384xi32, #tpu.memory_space<vmem>>)
      %scan3A_110 = arith.constant 0 : i32
      %scan3A_111 = arith.constant 1024 : i32
      %scan3A_112 = arith.addi %scan3A_110, %scan3A_111 : i32
      %scan3A_113 = arith.constant 4 : i32
      %scan3A_114:2 = scf.for %scan3A_116 = %scan3A_110 to %scan3A_112 step %scan3A_113 iter_args(%scan3A_117 = %scan3A_75#0, %scan3A_118 = %scan3A_75#1) -> (vector<16xi32>, vector<16xi32>)  : i32 {
        %mul3A_119 = arith.constant 16 : i32
        %mul3A_120 = arith.muli %scan3A_116, %mul3A_119 : i32
        %get3A = arith.constant 1 : i32
        %get3A_121 = arith.index_cast %get3A : i32 to index
        %get3A_122 = arith.index_cast %mul3A_120 : i32 to index
        %get3A_123 = tpu.vector_load %arg5[%get3A_121, %get3A_122] {strides = array<i32>} : memref<2x16384xf32, #tpu.memory_space<vmem>>, vector<1x16xf32>,
        %get3A_124 = vector.shape_cast %get3A_123 : vector<1x16xf32> to vector<16xf32>
        %mul3A_125 = arith.constant 16 : i32
        %mul3A_126 = arith.muli %scan3A_116, %mul3A_125 : i32
        %get3A_127 = arith.constant 1 : i32
        %get3A_128 = arith.index_cast %get3A_127 : i32 to index
        %get3A_129 = arith.index_cast %mul3A_126 : i32 to index
        %get3A_130 = tpu.vector_load %arg6[%get3A_128, %get3A_129] {strides = array<i32>} : memref<2x16384xi32, #tpu.memory_space<vmem>>, vector<1x16xi32>,
        %get3A_131 = vector.shape_cast %get3A_130 : vector<1x16xi32> to vector<16xi32>
        %lt3A_132 = arith.constant 5.000000e-01 : f32
        %lt3A_133 = vector.broadcast %lt3A_132 : f32 to vector<16xf32>
        %lt3A_134 = arith.cmpf olt, %get3A_124, %lt3A_133 : vector<16xf32>
        %jit3A = arith.constant 0 : i32
        %broadcast_in_dim3A_135 = vector.broadcast %jit3A : i32 to vector<16xi32>
        %select_n3A = arith.select %lt3A_134, %get3A_131, %broadcast_in_dim3A_135 : vector<16xi1>, vector<16xi32>
        %add3A_136 = arith.addi %scan3A_117, %select_n3A : vector<16xi32>
        %add3A_137 = arith.addi %scan3A_118, %get3A_131 : vector<16xi32>
        %scan3A_138 = arith.constant 1 : i32
        %scan3A_139 = arith.addi %scan3A_116, %scan3A_138 : i32
        %mul3A_140 = arith.constant 16 : i32
        %mul3A_141 = arith.muli %scan3A_139, %mul3A_140 : i32
        %get3A_142 = arith.constant 1 : i32
        %get3A_143 = arith.index_cast %get3A_142 : i32 to index
        %get3A_144 = arith.index_cast %mul3A_141 : i32 to index
        %get3A_145 = tpu.vector_load %arg5[%get3A_143, %get3A_144] {strides = array<i32>} : memref<2x16384xf32, #tpu.memory_space<vmem>>, vector<1x16xf32>,
        %get3A_146 = vector.shape_cast %get3A_145 : vector<1x16xf32> to vector<16xf32>
        %mul3A_147 = arith.constant 16 : i32
        %mul3A_148 = arith.muli %scan3A_139, %mul3A_147 : i32
        %get3A_149 = arith.constant 1 : i32
        %get3A_150 = arith.index_cast %get3A_149 : i32 to index
        %get3A_151 = arith.index_cast %mul3A_148 : i32 to index
        %get3A_152 = tpu.vector_load %arg6[%get3A_150, %get3A_151] {strides = array<i32>} : memref<2x16384xi32, #tpu.memory_space<vmem>>, vector<1x16xi32>,
        %get3A_153 = vector.shape_cast %get3A_152 : vector<1x16xi32> to vector<16xi32>
        %lt3A_154 = arith.constant 5.000000e-01 : f32
        %lt3A_155 = vector.broadcast %lt3A_154 : f32 to vector<16xf32>
        %lt3A_156 = arith.cmpf olt, %get3A_146, %lt3A_155 : vector<16xf32>
        %jit3A_157 = arith.constant 0 : i32
        %broadcast_in_dim3A_158 = vector.broadcast %jit3A_157 : i32 to vector<16xi32>
        %select_n3A_159 = arith.select %lt3A_156, %get3A_153, %broadcast_in_dim3A_158 : vector<16xi1>, vector<16xi32>
        %add3A_160 = arith.addi %add3A_136, %select_n3A_159 : vector<16xi32>
        %add3A_161 = arith.addi %add3A_137, %get3A_153 : vector<16xi32>
        %scan3A_162 = arith.constant 2 : i32
        %scan3A_163 = arith.addi %scan3A_116, %scan3A_162 : i32
        %mul3A_164 = arith.constant 16 : i32
        %mul3A_165 = arith.muli %scan3A_163, %mul3A_164 : i32
        %get3A_166 = arith.constant 1 : i32
        %get3A_167 = arith.index_cast %get3A_166 : i32 to index
        %get3A_168 = arith.index_cast %mul3A_165 : i32 to index
        %get3A_169 = tpu.vector_load %arg5[%get3A_167, %get3A_168] {strides = array<i32>} : memref<2x16384xf32, #tpu.memory_space<vmem>>, vector<1x16xf32>,
        %get3A_170 = vector.shape_cast %get3A_169 : vector<1x16xf32> to vector<16xf32>
        %mul3A_171 = arith.constant 16 : i32
        %mul3A_172 = arith.muli %scan3A_163, %mul3A_171 : i32
        %get3A_173 = arith.constant 1 : i32
        %get3A_174 = arith.index_cast %get3A_173 : i32 to index
        %get3A_175 = arith.index_cast %mul3A_172 : i32 to index
        %get3A_176 = tpu.vector_load %arg6[%get3A_174, %get3A_175] {strides = array<i32>} : memref<2x16384xi32, #tpu.memory_space<vmem>>, vector<1x16xi32>,
        %get3A_177 = vector.shape_cast %get3A_176 : vector<1x16xi32> to vector<16xi32>
        %lt3A_178 = arith.constant 5.000000e-01 : f32
        %lt3A_179 = vector.broadcast %lt3A_178 : f32 to vector<16xf32>
        %lt3A_180 = arith.cmpf olt, %get3A_170, %lt3A_179 : vector<16xf32>
        %jit3A_181 = arith.constant 0 : i32
        %broadcast_in_dim3A_182 = vector.broadcast %jit3A_181 : i32 to vector<16xi32>
        %select_n3A_183 = arith.select %lt3A_180, %get3A_177, %broadcast_in_dim3A_182 : vector<16xi1>, vector<16xi32>
        %add3A_184 = arith.addi %add3A_160, %select_n3A_183 : vector<16xi32>
        %add3A_185 = arith.addi %add3A_161, %get3A_177 : vector<16xi32>
        %scan3A_186 = arith.constant 3 : i32
        %scan3A_187 = arith.addi %scan3A_116, %scan3A_186 : i32
        %mul3A_188 = arith.constant 16 : i32
        %mul3A_189 = arith.muli %scan3A_187, %mul3A_188 : i32
        %get3A_190 = arith.constant 1 : i32
        %get3A_191 = arith.index_cast %get3A_190 : i32 to index
        %get3A_192 = arith.index_cast %mul3A_189 : i32 to index
        %get3A_193 = tpu.vector_load %arg5[%get3A_191, %get3A_192] {strides = array<i32>} : memref<2x16384xf32, #tpu.memory_space<vmem>>, vector<1x16xf32>,
        %get3A_194 = vector.shape_cast %get3A_193 : vector<1x16xf32> to vector<16xf32>
        %mul3A_195 = arith.constant 16 : i32
        %mul3A_196 = arith.muli %scan3A_187, %mul3A_195 : i32
        %get3A_197 = arith.constant 1 : i32
        %get3A_198 = arith.index_cast %get3A_197 : i32 to index
        %get3A_199 = arith.index_cast %mul3A_196 : i32 to index
        %get3A_200 = tpu.vector_load %arg6[%get3A_198, %get3A_199] {strides = array<i32>} : memref<2x16384xi32, #tpu.memory_space<vmem>>, vector<1x16xi32>,
        %get3A_201 = vector.shape_cast %get3A_200 : vector<1x16xi32> to vector<16xi32>
        %lt3A_202 = arith.constant 5.000000e-01 : f32
        %lt3A_203 = vector.broadcast %lt3A_202 : f32 to vector<16xf32>
        %lt3A_204 = arith.cmpf olt, %get3A_194, %lt3A_203 : vector<16xf32>
        %jit3A_205 = arith.constant 0 : i32
        %broadcast_in_dim3A_206 = vector.broadcast %jit3A_205 : i32 to vector<16xi32>
        %select_n3A_207 = arith.select %lt3A_204, %get3A_201, %broadcast_in_dim3A_206 : vector<16xi1>, vector<16xi32>
        %add3A_208 = arith.addi %add3A_184, %select_n3A_207 : vector<16xi32>
        %add3A_209 = arith.addi %add3A_185, %get3A_201 : vector<16xi32>
        scf.yield %add3A_208, %add3A_209 : vector<16xi32>, vector<16xi32>
      }
      %scan3A_115 = arith.constant 1024 : i32
      scf.yield %scan3A_114#0, %scan3A_114#1 : vector<16xi32>, vector<16xi32>
    }
    %scan3A_27 = arith.constant 7 : i32
    %swap3A = arith.constant 0 : i32
    %swap3A_28 = arith.index_cast %swap3A : i32 to index
    %swap3A_29 = arith.constant 0 : index
    %swap3A_30 = tpu.vector_load %arg7[%swap3A_28, %swap3A_29] {strides = array<i32>} : memref<2x16xi32, #tpu.memory_space<vmem>>, vector<1x16xi32>,
    %swap3A_31 = vector.shape_cast %swap3A_30 : vector<1x16xi32> to vector<16xi32>
    %swap3A_32 = vector.shape_cast %scan3A_26#0 : vector<16xi32> to vector<1x16xi32>
    tpu.vector_store %arg7[%swap3A_28, %swap3A_29], %swap3A_32 {strides = array<i32>} : memref<2x16xi32, #tpu.memory_space<vmem>>, vector<1x16xi32>,
    %swap3A_33 = arith.constant 1 : i32
    %swap3A_34 = arith.index_cast %swap3A_33 : i32 to index
    %swap3A_35 = arith.constant 0 : index
    %swap3A_36 = tpu.vector_load %arg7[%swap3A_34, %swap3A_35] {strides = array<i32>} : memref<2x16xi32, #tpu.memory_space<vmem>>, vector<1x16xi32>,
    %swap3A_37 = vector.shape_cast %swap3A_36 : vector<1x16xi32> to vector<16xi32>
    %swap3A_38 = vector.shape_cast %scan3A_26#1 : vector<16xi32> to vector<1x16xi32>
    tpu.vector_store %arg7[%swap3A_34, %swap3A_35], %swap3A_38 {strides = array<i32>} : memref<2x16xi32, #tpu.memory_space<vmem>>, vector<1x16xi32>,
    "tpu.region"() ({
      %run_scoped3A = tpu.sem_alloc : memref<!tpu.dma_semaphore, #tpu.memory_space<semaphore_mem>>
      %dma_start3A_39 = arith.constant 0 : i32
      %dma_start3A_40 = arith.constant 0 : i32
      %dma_start3A_41 = tpu.memref_slice %arg4[%add3A, %dma_start3A_39, %dma_start3A_40] : memref<32x2x16xi32, #tpu.memory_space<hbm>> -> memref<1x2x16xi32, #tpu.memory_space<hbm>>
      %dma_start3A_42 = tpu.memref_squeeze %dma_start3A_41 : memref<1x2x16xi32, #tpu.memory_space<hbm>> -> memref<2x16xi32, #tpu.memory_space<hbm>>
      %dma_start3A_43 = arith.constant 0 : i32
      %dma_start3A_44 = arith.constant 0 : i32
      %dma_start3A_45 = tpu.memref_slice %arg4[%add3A, %dma_start3A_43, %dma_start3A_44] : memref<32x2x16xi32, #tpu.memory_space<hbm>> -> memref<1x2x16xi32, #tpu.memory_space<hbm>>
      %dma_start3A_46 = tpu.memref_squeeze %dma_start3A_45 : memref<1x2x16xi32, #tpu.memory_space<hbm>> -> memref<2x16xi32, #tpu.memory_space<hbm>>
      tpu.enqueue_dma source(%arg7 : memref<2x16xi32, #tpu.memory_space<vmem>>) target(%dma_start3A_46 : memref<2x16xi32, #tpu.memory_space<hbm>>) target_semaphore(%run_scoped3A : memref<!tpu.dma_semaphore, #tpu.memory_space<semaphore_mem>>)
      %dma_wait3A = arith.constant 0 : i32
      %dma_wait3A_47 = arith.constant 0 : i32
      %dma_wait3A_48 = tpu.memref_slice %arg4[%add3A, %dma_wait3A, %dma_wait3A_47] : memref<32x2x16xi32, #tpu.memory_space<hbm>> -> memref<1x2x16xi32, #tpu.memory_space<hbm>>
      %dma_wait3A_49 = tpu.memref_squeeze %dma_wait3A_48 : memref<1x2x16xi32, #tpu.memory_space<hbm>> -> memref<2x16xi32, #tpu.memory_space<hbm>>
      %dma_wait3A_50 = arith.constant 0 : i32
      %dma_wait3A_51 = arith.constant 0 : i32
      %dma_wait3A_52 = tpu.memref_slice %arg4[%add3A, %dma_wait3A_50, %dma_wait3A_51] : memref<32x2x16xi32, #tpu.memory_space<hbm>> -> memref<1x2x16xi32, #tpu.memory_space<hbm>>
      %dma_wait3A_53 = tpu.memref_squeeze %dma_wait3A_52 : memref<1x2x16xi32, #tpu.memory_space<hbm>> -> memref<2x16xi32, #tpu.memory_space<hbm>>
      tpu.wait_dma2 semaphore(%run_scoped3A : memref<!tpu.dma_semaphore, #tpu.memory_space<semaphore_mem>>) src(%arg7 : memref<2x16xi32, #tpu.memory_space<vmem>>) dst(%dma_wait3A_53 : memref<2x16xi32, #tpu.memory_space<hbm>>)
      tpu.yield
    }) : () -> ()
    return
  }
}

module attributes {stable_mosaic.version = 14 : i64} {
  func.func @_fnr_tc_body(%arg0: i32, %arg1: memref<524288xf32, #tpu.memory_space<vmem>>, %arg2: memref<524288xi32, #tpu.memory_space<vmem>>, %arg3: memref<2x8x128xi32, #tpu.memory_space<vmem>>) attributes {dimension_semantics = [#tpu.dimension_semantics<arbitrary>], iteration_bounds = array<i64: 18>, scalar_prefetch = 0 : i64, scratch_operands = 0 : i64, tpu.core_type = #tpu.core_type<tc>, window_params = [{transform_indices = @transform_0, window_bounds = array<i64: 524288>}, {transform_indices = @transform_1, window_bounds = array<i64: 524288>}, {pipeline_mode = #tpu.pipeline_mode<synchronous>, transform_indices = @transform_2, window_bounds = array<i64: 2, 8, 128>}]} {
    %eq3A = arith.constant 0 : i32
    %eq3A_0 = arith.cmpi eq, %arg0, %eq3A : i32
    %convert_element_type3A = arith.extui %eq3A_0 : i1 to i32
    %cond3A = arith.constant 0 : i32
    %cond3A_1 = arith.cmpi ne, %convert_element_type3A, %cond3A : i32
    scf.if %cond3A_1 {
      %broadcast_in_dim3A_33 = arith.constant 0 : i32
      %broadcast_in_dim3A_34 = vector.broadcast %broadcast_in_dim3A_33 : i32 to vector<2x8x128xi32>
      %swap3A_35 = arith.constant 0 : index
      %swap3A_36 = arith.constant 0 : index
      %swap3A_37 = arith.constant 0 : index
      %swap3A_38 = vector.load %arg3[%swap3A_35, %swap3A_36, %swap3A_37] : memref<2x8x128xi32, #tpu.memory_space<vmem>>, vector<2x8x128xi32>
      tpu.vector_store %arg3[%swap3A_35, %swap3A_36, %swap3A_37], %broadcast_in_dim3A_34 {strides = array<i32>} : memref<2x8x128xi32, #tpu.memory_space<vmem>>, vector<2x8x128xi32>,
    } else {
    }
    %get3A = arith.constant 0 : index
    %get3A_2 = vector.load %arg1[%get3A] : memref<524288xf32, #tpu.memory_space<vmem>>, vector<524288xf32>
    %reshape3A = vector.shape_cast %get3A_2 : vector<524288xf32> to vector<512x8x128xf32>
    %get3A_3 = arith.constant 0 : index
    %get3A_4 = vector.load %arg2[%get3A_3] : memref<524288xi32, #tpu.memory_space<vmem>>, vector<524288xi32>
    %reshape3A_5 = vector.shape_cast %get3A_4 : vector<524288xi32> to vector<512x8x128xi32>
    %lt3A = arith.constant 5.000000e-01 : f32
    %lt3A_6 = vector.broadcast %lt3A : f32 to vector<512x8x128xf32>
    %lt3A_7 = arith.cmpf olt, %reshape3A, %lt3A_6 : vector<512x8x128xf32>
    %jit3A = arith.constant 0 : i32
    %broadcast_in_dim3A = vector.broadcast %jit3A : i32 to vector<512x8x128xi32>
    %select_n3A = arith.select %lt3A_7, %reshape3A_5, %broadcast_in_dim3A : vector<512x8x128xi1>, vector<512x8x128xi32>
    %reduce_sum3A = arith.constant dense<0> : vector<8x128xi32>
    %reduce_sum3A_8 = vector.multi_reduction <add>, %select_n3A, %reduce_sum3A [0] : vector<512x8x128xi32> to vector<8x128xi32>
    %reduce_sum3A_9 = arith.constant dense<0> : vector<8x128xi32>
    %reduce_sum3A_10 = vector.multi_reduction <add>, %reshape3A_5, %reduce_sum3A_9 [0] : vector<512x8x128xi32> to vector<8x128xi32>
    %get3A_11 = arith.constant 0 : index
    %get3A_12 = arith.constant 0 : index
    %get3A_13 = arith.constant 0 : index
    %get3A_14 = vector.load %arg3[%get3A_11, %get3A_12, %get3A_13] : memref<2x8x128xi32, #tpu.memory_space<vmem>>, vector<1x8x128xi32>
    %get3A_15 = vector.shape_cast %get3A_14 : vector<1x8x128xi32> to vector<8x128xi32>
    %add3A = arith.addi %get3A_15, %reduce_sum3A_8 : vector<8x128xi32>
    %swap3A = arith.constant 0 : index
    %swap3A_16 = arith.constant 0 : index
    %swap3A_17 = arith.constant 0 : index
    %swap3A_18 = vector.load %arg3[%swap3A, %swap3A_16, %swap3A_17] : memref<2x8x128xi32, #tpu.memory_space<vmem>>, vector<1x8x128xi32>
    %swap3A_19 = vector.shape_cast %swap3A_18 : vector<1x8x128xi32> to vector<8x128xi32>
    %swap3A_20 = vector.shape_cast %add3A : vector<8x128xi32> to vector<1x8x128xi32>
    tpu.vector_store %arg3[%swap3A, %swap3A_16, %swap3A_17], %swap3A_20 {strides = array<i32>} : memref<2x8x128xi32, #tpu.memory_space<vmem>>, vector<1x8x128xi32>,
    %get3A_21 = arith.constant 1 : index
    %get3A_22 = arith.constant 0 : index
    %get3A_23 = arith.constant 0 : index
    %get3A_24 = vector.load %arg3[%get3A_21, %get3A_22, %get3A_23] : memref<2x8x128xi32, #tpu.memory_space<vmem>>, vector<1x8x128xi32>
    %get3A_25 = vector.shape_cast %get3A_24 : vector<1x8x128xi32> to vector<8x128xi32>
    %add3A_26 = arith.addi %get3A_25, %reduce_sum3A_10 : vector<8x128xi32>
    %swap3A_27 = arith.constant 1 : index
    %swap3A_28 = arith.constant 0 : index
    %swap3A_29 = arith.constant 0 : index
    %swap3A_30 = vector.load %arg3[%swap3A_27, %swap3A_28, %swap3A_29] : memref<2x8x128xi32, #tpu.memory_space<vmem>>, vector<1x8x128xi32>
    %swap3A_31 = vector.shape_cast %swap3A_30 : vector<1x8x128xi32> to vector<8x128xi32>
    %swap3A_32 = vector.shape_cast %add3A_26 : vector<8x128xi32> to vector<1x8x128xi32>
    tpu.vector_store %arg3[%swap3A_27, %swap3A_28, %swap3A_29], %swap3A_32 {strides = array<i32>} : memref<2x8x128xi32, #tpu.memory_space<vmem>>, vector<1x8x128xi32>,
    return
  }
  func.func @transform_0(%arg0: i32) -> i32 {
    %add3A = arith.constant 14 : i32
    %add3A_0 = arith.addi %arg0, %add3A : i32
    %c0_i32 = arith.constant 0 : i32
    return %add3A_0 : i32
  }
  func.func @transform_1(%arg0: i32) -> i32 {
    %add3A = arith.constant 14 : i32
    %add3A_0 = arith.addi %arg0, %add3A : i32
    %c0_i32 = arith.constant 0 : i32
    return %add3A_0 : i32
  }
  func.func @transform_2(%arg0: i32) -> (i32, i32, i32) {
    %c0_i32 = arith.constant 0 : i32
    %c0_i32_0 = arith.constant 0 : i32
    %c0_i32_1 = arith.constant 0 : i32
    %c0_i32_2 = arith.constant 0 : i32
    return %c0_i32, %c0_i32_0, %c0_i32_1 : i32, i32, i32
  }
}

</mosaic_0001>

<sc_bundles>
// kernel: kernel.4.cloned.1.call-start
scs
__scs_entry_jumppad:
0x0: {  	(pc) =	sbr.rel $0x88, $3  }
0x1: {  	(tag) =	ssettag $0x0;
	lr =	simm.s32 $0x1  }
0x2: {  	[smem:$0x3F9F] =	sst lr;
	_ =	strace $0xD0000000  }
0x3: {  	_ = 	snop  }
0x4: {  	_ = 	snop  }
0x5: {  	_ = 	snop  }
0x6: {  	_ = 	snop  }
0x7: {  	_ = 	snop  }
__scs_overlays_trampoline_lowered:
0x8: {  	[smem:$0x3FAE] =	sst s0  }
0x9: {  	[smem:$0x3FAF] =	sst s1  }
0xa: {  	[smem:$0x3FB0] =	sst s2  }
0xb: {  	[smem:$0x3FB1] =	sst s3  }
0xc: {  	[smem:$0x3FB2] =	sst s4  }
0xd: {  	[smem:$0x3FB3] =	sst s5  }
0xe: {  	[smem:$0x3FB4] =	sst s6  }
0xf: {  	[smem:$0x3FB5] =	sst s7  }
0x10: {  	[smem:$0x3FB6] =	sst s8  }
0x11: {  	[smem:$0x3FB7] =	sst s9;
	s0 =	simm.s32 @!p0 $0x0  }
0x12: {  	s1 =	sld [smem:$0x3F9D];
	s0 =	simm.s32 @p0 $0x1  }
0x13: {  	[smem:$0x3FB8] =	sst s0;
	s0 =	simm.s32 @!p1 $0x0  }
0x14: {  	s2 =	sld [smem:$0x3F9C];
	s0 =	simm.s32 @p1 $0x1  }
0x15: {  	[smem:$0x3FB9] =	sst s0;
	s0 =	simm.s32 @!p2 $0x0  }
0x16: {  	s3 =	sld [smem:$0x3FDB];
	s0 =	simm.s32 @p2 $0x1  }
0x17: {  	s4 =	simm.s32 $0x1BF5;
	[smem:$0x3FBB] =	sst s0  }
0x18: {  	s0 =	sld [smem:$0x3F9E];
	_ =	swait.ge [sflag:s4], $0x0  }
0x19: {  	s7 =	sld [smem:$0x3F9F]  }
0x1a: {  	s8 =	sadd.s32 $0xFFFFE003, lr  }
0x1b: {  	s9 =	sadd.s32 $0xFFFFFEF7, lr;
	s5 =	simm.s32 $0xFFFFFFFF;
	p2 =	slt.u32 s8, $0xFFFFF086  }
0x1c: {  	p1 =	slt.u32 s9, $0xF7A;
	s5 =	simm.s32 @!p2 $0x0  }
0x1d: {  	s5 =	simm.s32 @p1 $0x1;
	p0 =	seq.s32 s7, s2  }
0x1e: {  	s7 =	smul.u32 @!p0 $0xF7A, s2;
	p2 =	seq.s32 @!p0 s5, $0x0  }
0x1f: {  	s9 =	smul.u32 $0xF7A, s1;
	s8 =	simm.s32 @!p0 $0x1BF5;
	p2 =	por !p2, p0  }
0x20: {  	[sflag:s8] =	ssyncset.s32 @!p0 $0xFFFFF086;
	s6 =	sadd.s32 @!p0 s3, s7;
	s7 =	simm.s32 @!p0 $0x108  }
0x21: {  	s3 =	sadd.s32 s3, s9;
	s6 =	sadd.s32 @!p0 $0x88, s6;
	s7 =	simm.s32 @p2 $0x1082  }
0x22: {  	[simem:s7], [sflag:s8] =	dma.local @!p0 [hbm:s6], $0xF7A  }
0x23: {  	s9 =	sor.u32 $0xD0000000, s2;
	s6 =	simm.s32 $0x108;
	_ =	swait.ge @!p0 [sflag:s8], $0x0  }
0x24: {  	s3 =	sadd.s32 $0x88, s3;
	s6 =	simm.s32 @!p1 $0x1082;
	[sflag:s4] =	ssyncset.s32 $0xFFFFF086  }
0x25: {  	[simem:s6], [sflag:s4] =	dma.local [hbm:s3], $0xF7A  }
0x26: {  	[smem:$0x3F9F] =	sst s1;
	(tag) =	ssettag s2;
	_ =	strace s9  }
0x27: {  	s1 =	sld [smem:$0x3FAF]  }
0x28: {  	s2 =	sld [smem:$0x3FB0]  }
0x29: {  	s4 =	sld [smem:$0x3FB2]  }
0x2a: {  	p0 =	seq.s32 s5, $0x0;
	s5 =	sld [smem:$0x3FB3]  }
0x2b: {  	s6 =	sld [smem:$0x3FB4]  }
0x2c: {  	s7 =	sld [smem:$0x3FB5]  }
0x2d: {  	s3 =	simm.s32 $0x108;
	s8 =	sld [smem:$0x3FB6]  }
0x2e: {  	s3 =	simm.s32 @!p0 $0x1082;
	s9 =	sld [smem:$0x3FB7]  }
0x2f: {  	lr =	sadd.s32 s0, s3;
	s0 =	sld [smem:$0x3FAE]  }
0x30: {  	s3 =	sld [smem:$0x3FB1]  }
0x31: {  	[smem:$0x3FBA] =	sst s10  }
0x32: {  	s10 =	sld [smem:$0x3FB8];
	_ =	sdelay $0x3  }
0x33: {  	p0 =	seq.s32 s10, $0x1;
	s10 =	sld [smem:$0x3FBA];
	_ =	sdelay $0x3  }
0x34: {  	[smem:$0x3FBA] =	sst s10  }
0x35: {  	s10 =	sld [smem:$0x3FB9];
	_ =	sdelay $0x3  }
0x36: {  	p1 =	seq.s32 s10, $0x1;
	s10 =	sld [smem:$0x3FBA];
	_ =	sdelay $0x3  }
0x37: {  	[smem:$0x3FBA] =	sst s10  }
0x38: {  	s10 =	sld [smem:$0x3FBB]  }
0x39: {  	_ = 	snop;
	(pc) =	sbr.ind lr, $3  }
0x3a: {  	_ = 	snop  }
0x3b: {  	_ = 	snop  }
0x3c: {  	p2 =	seq.s32 s10, $0x1;
	s10 =	sld [smem:$0x3FBA]  }
0x3d: {  	_ =	shalt  }
0x3e: {  	_ =	shalt  }
0x3f: {  	_ =	shalt  }
0x40: {  	_ =	shalt  }
0x41: {  	_ =	shalt  }
0x42: {  	_ =	shalt  }
0x43: {  	_ =	shalt  }
0x44: {  	_ =	shalt  }
0x45: {  	_ =	shalt  }
0x46: {  	_ =	shalt  }
0x47: {  	_ =	shalt  }
0x48: {  	_ =	shalt  }
0x49: {  	_ =	shalt  }
0x4a: {  	_ =	shalt  }
0x4b: {  	_ =	shalt  }
0x4c: {  	_ =	shalt  }
0x4d: {  	_ =	shalt  }
0x4e: {  	_ =	shalt  }
0x4f: {  	_ =	shalt  }
0x50: {  	_ =	shalt  }
0x51: {  	_ =	shalt  }
0x52: {  	_ =	shalt  }
0x53: {  	_ =	shalt  }
0x54: {  	_ =	shalt  }
0x55: {  	_ =	shalt  }
0x56: {  	_ =	shalt  }
0x57: {  	_ =	shalt  }
0x58: {  	_ =	shalt  }
0x59: {  	_ =	shalt  }
0x5a: {  	_ =	shalt  }
0x5b: {  	_ =	shalt  }
0x5c: {  	_ =	shalt  }
0x5d: {  	_ =	shalt  }
0x5e: {  	_ =	shalt  }
0x5f: {  	_ =	shalt  }
0x60: {  	_ =	shalt  }
0x61: {  	_ =	shalt  }
0x62: {  	_ =	shalt  }
0x63: {  	_ =	shalt  }
0x64: {  	_ =	shalt  }
0x65: {  	_ =	shalt  }
0x66: {  	_ =	shalt  }
0x67: {  	_ =	shalt  }
0x68: {  	_ =	shalt  }
0x69: {  	_ =	shalt  }
0x6a: {  	_ =	shalt  }
0x6b: {  	_ =	shalt  }
0x6c: {  	_ =	shalt  }
0x6d: {  	_ =	shalt  }
0x6e: {  	_ =	shalt  }
0x6f: {  	_ =	shalt  }
0x70: {  	_ =	shalt  }
0x71: {  	_ =	shalt  }
0x72: {  	_ =	shalt  }
0x73: {  	_ =	shalt  }
0x74: {  	_ =	shalt  }
0x75: {  	_ =	shalt  }
0x76: {  	_ =	shalt  }
0x77: {  	_ =	shalt  }
0x78: {  	_ =	shalt  }
0x79: {  	_ =	shalt  }
0x7a: {  	_ =	shalt  }
0x7b: {  	_ =	shalt  }
0x7c: {  	_ =	shalt  }
0x7d: {  	_ =	shalt  }
0x7e: {  	_ =	shalt  }
0x7f: {  	_ =	shalt  }
0x80: {  	_ =	shalt  }
0x81: {  	_ =	shalt  }
0x82: {  	_ =	shalt  }
0x83: {  	_ =	shalt  }
0x84: {  	_ =	shalt  }
0x85: {  	_ =	shalt  }
0x86: {  	_ =	shalt  }
0x87: {  	_ =	shalt  }
.Lfunc_end0:
.L_simem_size_0:
called_computation_lowered:
.L_overlay_start_0:
0x88: {  	s2 =	sld [smem:$0x3FD9]  }
0x89: {  	s3 =	sld [smem:$0x3FFE];
	_ =	sdelay $0x1  }
0x8a: {  	s1 =	srdreg.scid  }
0x8b: {  	s0 =	sand.u32 $0x1, s1  }
0x8c: {  	s17 =	sshll.u32 s0, $0xA;
	s2 =	sadd.s32 s3, s2  }
0x8d: {  	s2 =	sadd.s32 s2, s17  }
0x8e: {  	[smem:$0x3FC6] =	sst s2  }
0x8f: {  	_ = 	snop  }
0x90: {  	s2 =	sld [smem:$0x3FC9]  }
0x91: {  	s18 =	sld [smem:$0x3FC8];
	(tm) =	ssettm $0x1  }
0x92: {  	s4 =	sld [smem:$0x3FFB];
	_ =	sdelay $0x3  }
0x93: {  	_ =	strace s4  }
0x94: {  	s4 =	sld [smem:$0x3FFC];
	_ =	sdelay $0x3  }
0x95: {  	_ =	strace s4  }
0x96: {  	s4 =	sld [smem:$0x3FFD];
	_ =	sdelay $0x3  }
0x97: {  	_ =	strace s4  }
0x98: {  	_ =	strace $0x8FFFFFFF  }
0x99: {  	s19 =	sld [smem:$0x3FDB];
	_ =	sdelay $0x1  }
0x9a: {  	s5 =	simm.s32 $_scs_section_size  }
0x9b: {  	s6 =	simm.s32 $_size__tile_overlayer_lowered;
	s7 =	simm.s32 $_tile_overlayer_lowered  }
0x9c: {  	s22 =	simm.s32 $0x1BFF;
	s21 =	sshll.u32 s7, $0x1;
	s4 =	sadd.s32 s5, s19  }
0x9d: {  	s8 =	simm.s32 $0x0;
	s20 =	sshll.u32 s6, $0x1;
	s6 =	sadd.s32 s21, s4  }
0x9e: {  	[timem:s8], [sflag:s22] =	dma.local [hbm:s6], s20  }
0x9f: {  	_ =	swait.ge [sflag:s22], s20  }
0xa0: {  	s5 =	ssub.s32 $0x0, s20;
	[sflag:s22] =	ssyncset.done $0x0  }
0xa1: {  	[sflag:s22] =	ssyncadd.s32 s5;
	_ =	sdelay $0x1  }
0xa2: {  	s23 =	simm.s32 $0x1B8B  }
0xa3: {  	_ =	swait.ge [sflag:s23], $0x1  }
0xa4: {  	[sflag:s23] =	ssyncset.done $0x0  }
0xa5: {  	s25 =	simm.s32 $0x1B8E;
	s24 =	sld [smem:$0x3FFE];
	[sflag:s23] =	ssyncadd.s32 $0xFFFFFFFF  }
0xa6: {  	s26 =	simm.s32 $execute0_lowered;
	[smem:$0x3FD2] =	sst s25  }
0xa7: {  	s6 =	sshll.u32 s26, $0x1;
	_ =	strace $0x80000046;
	[dreg:$0x1] =	wrdreg $0xFFFFFFFF  }
0xa8: {  	s28 =	simm.s32 $_size_execute0_lowered;
	s4 =	sadd.s32 s4, s6;
	[dreg:$0x0] =	wrdreg $0x0  }
0xa9: {  	s6 =	sshll.u32 s28, $0x1;
	[dreg:$0x2] =	wrdreg s4  }
0xaa: {  	[dreg:$0x3] =	wrdreg s6  }
0xab: {  	[dreg:$0x4] =	wrdreg $0xC0  }
0xac: {  	_ =	task [dreg:s8], $0x5FFFF  }
0xad: {  	[dreg:$0x1] =	wrdreg $0xFFFFFFFF  }
0xae: {  	[dreg:$0x0] =	wrdreg $0x60  }
0xaf: {  	[dreg:$0x2] =	wrdreg s2  }
0xb0: {  	[dreg:$0x3] =	wrdreg s18  }
0xb1: {  	[dreg:$0x4] =	wrdreg s24  }
0xb2: {  	[dreg:$0x5] =	wrdreg $0x9  }
0xb3: {  	_ =	task.clear_ibuf [dreg:s8], $0x6FFFF;
	_ =	strace $0x90000046  }
0xb4: {  	s29 =	simm.s32 $0x9;
	_ =	strace $0x80000048  }
0xb5: {  	_ =	swait.ge [sflag:s29], $0x1  }
0xb6: {  	[sflag:s29] =	ssyncadd.s32 $0xFFFFFFFF  }
0xb7: {  	_ =	strace $0x90000048  }
0xb8: {  	_ =	sfence  }
0xb9: {  	s30 =	sld [smem:$0x0];
	_ =	sdelay $0x2  }
0xba: {  	s31 =	sshll.u32 s1, $0xD;
	s1 =	sshrl.u32 s1, $0x2  }
0xbb: {  	s3 =	sand.u32 $0x4000, s31;
	s1 =	sadd.s32 s1, s30  }
0xbc: {  	s0 =	sor.u32 s3, s0;
	s1 =	sshll.u32 s1, $0x11  }
0xbd: {  	s0 =	sor.u32 s1, s0  }
0xbe: {  	s0 =	sadd.s32 $0x8F2B, s0  }
0xbf: {  	[sflag:s0] =	ssyncadd.remote.s32 $0x1  }
0xc0: {  	_ =	sfence.sel $0xFFFF  }
0xc1: {  	[dreg:$0x0] =	wrdreg $0xFFFFFFFF;
	(pc) =	sbr.abs _section_cstart, $3  }
0xc2: {  	[dreg:$0x1] =	wrdreg $0xFFFFFFFF  }
0xc3: {  	_ =	task.clear_ibuf [dreg:s8], $0x2FFFF;
	_ =	strace $0x9FFFFFFF  }
0xc4: {  	(tm) =	ssettm $0x7FFFFFFF  }
0xc5: {  	_ =	shalt  }
tec
execute0_lowered:
.L_overlay_start_1:
0x0: {  	(tag) =	ssettag $0x1  }
0x1: {  	s1 =	rddreg [dreg:$0x0];
	s2 =	srdreg.scid  }
0x2: {  	s0 =	stileid.u32;
	s3 =	rddreg [dreg:$0x1]  }
0x3: {  	s9 =	rddreg [dreg:$0x2];
	s4 =	simm.s32 $0x0;
	s12 =	simm.s32 $0x3  }
0x4: {  	s13 =	simm.s32 $0x2;
	s14 =	simm.s32 $0x4;
	s15 =	simm.s32 $0x10000  }
0x5: {  	s16 =	simm.s32 $0x5;
	s5 =	sand.u32 $0x1, s2;
	s31 =	sshll.u32 s0, $0x1  }
0x6: {  	s17 =	simm.s32 $0x0;
	s2 =	rddreg [dreg:$0x3];
	s10 =	sor.u32 s5, s31  }
0x7: {  	[smem:$0x7FF] =	sst s4;
	s5 =	ssub.s32 $0x2, s5;
	s8 =	smul.u32 $0x38000, s10  }
0x8: {  	_ =	strace $0x80000047;
	s6 =	sshrl.u32 s5, $0x1;
	s10 =	sshll.u32 s10, $0x5  }
0x9: {  	s11 =	ssub.s32 s5, s6;
	s9 =	sadd.s32 s9, s10;
	s7 =	sshrl.u32 s8, $0x3  }
0xa: {  	s10 =	smax.u32 s11, $0x1;
	s11 =	simm.s32 $0x1;
	s5 =	sadd.s32 s1, s7  }
0xb: {  	s6 =	sadd.s32 s3, s7;
	s7 =	sor.u32 $0x4000, s8;
	s8 =	sadd.s32 $0x8000, s8  }
.LBB2_1:
0xc: {  	s18 =	simm.s32 $0x10  }
0xd: {  	s21 =	sadd.s32 $0x0, s5;
	s19 =	simm.s32 $0x100;
	s20 =	simm.s32 $0x0  }
.LBB2_2:
0xe: {  	[tilespmem:s20], [sflag:$0x1] =	stream.linear.gather [hbm4b:s21+s4], $0x80, $0x38;
	[tilespmem:$0x10100] =	vst v63  }
0xf: {  	s21 =	smov.u32 s18;
	s20 =	smov.u32 s19;
	p0 =	sne.s32 s18, $0x7F0  }
.Ltmp0:
0x10: {  	s18 =	sadd.s32 $0x10, s18;
	(pc) =	sbr.rel @p0 .LBB2_2-.Ltmp0, $2  }
0x11: {  	_ =	sdelay $0x2  }
0x12: {  	s19 =	sadd.s32 $0x100, s19;
	s21 =	sadd.s32 s21, s5  }
0x13: {  	[tilespmem:s20], [sflag:$0x1] =	stream.linear.gather [hbm4b:s21+s4], $0x80, $0x38;
	[tilespmem:$0x10100] =	vst v63  }
0x14: {  	s18 =	simm.s32 $0x0;
	s19 =	simm.s32 $0x8000;
	s20 =	simm.s32 $0x0  }
.LBB2_4:
0x15: {  	p0 =	sne.s32 s20, $0x7F0  }
.Ltmp1:
0x16: {  	_ = 	snop;
	(pc) =	sbr.rel @p0 .LBB2_4-.Ltmp1, $4  }
0x17: {  	_ = 	snop  }
0x18: {  	s21 =	sadd.s32 s20, s6  }
0x19: {  	[tilespmem:s19], [sflag:$0x3] =	stream.linear.gather [hbm4b:s21+s18], $0x80, $0x38;
	[tilespmem:$0x10100] =	vst v63  }
0x1a: {  	s20 =	sadd.s32 $0x10, s20;
	s19 =	sadd.s32 $0x100, s19  }
0x1b: {  	v0 =	vimm.s32 $0x0;
	v1 =	vimm.s32 $0x0  }
.LBB2_6:
0x1c: {  	s19 =	sshll.u32 s18, $0xF  }
0x1d: {  	s20 =	sadd.s32 s19, s7  }
0x1e: {  	s20 =	sshrl.u32 s20, $0x3  }
0x1f: {  	s22 =	simm.s32 $0x80;
	s21 =	sadd.s32 s1, s20  }
0x20: {  	s23 =	simm.s32 $0x10;
	s24 =	simm.s32 $0x180;
	s25 =	sadd.s32 $0x0, s21  }
.LBB2_7:
0x21: {  	[tilespmem:s22], [sflag:$0x2] =	stream.linear.gather [hbm4b:s25+s4], $0x80, $0x38;
	[tilespmem:$0x10100] =	vst v63  }
0x22: {  	s25 =	smov.u32 s23;
	s22 =	smov.u32 s24;
	p0 =	sne.s32 s23, $0x7F0  }
.Ltmp2:
0x23: {  	s23 =	sadd.s32 $0x10, s23;
	(pc) =	sbr.rel @p0 .LBB2_7-.Ltmp2, $2  }
0x24: {  	_ =	sdelay $0x2  }
0x25: {  	s24 =	sadd.s32 $0x100, s24;
	s25 =	sadd.s32 s25, s21  }
0x26: {  	[tilespmem:s22], [sflag:$0x2] =	stream.linear.gather [hbm4b:s25+s4], $0x80, $0x38;
	[tilespmem:$0x10100] =	vst v63  }
0x27: {  	s20 =	sadd.s32 s3, s20;
	s21 =	simm.s32 $0x8080  }
0x28: {  	s22 =	simm.s32 $0x10;
	s23 =	simm.s32 $0x8180;
	s24 =	sadd.s32 $0x0, s20  }
.LBB2_9:
0x29: {  	[tilespmem:s21], [sflag:$0x4] =	stream.linear.gather [hbm4b:s24+s4], $0x80, $0x38;
	[tilespmem:$0x10100] =	vst v63  }
0x2a: {  	s24 =	smov.u32 s22;
	s21 =	smov.u32 s23;
	p0 =	sne.s32 s22, $0x7F0  }
.Ltmp3:
0x2b: {  	s22 =	sadd.s32 $0x10, s22;
	(pc) =	sbr.rel @p0 .LBB2_9-.Ltmp3, $2  }
0x2c: {  	_ =	sdelay $0x2  }
0x2d: {  	s23 =	sadd.s32 $0x100, s23;
	s24 =	sadd.s32 s24, s20  }
0x2e: {  	[tilespmem:s21], [sflag:$0x4] =	stream.linear.gather [hbm4b:s24+s4], $0x80, $0x38;
	[tilespmem:$0x10100] =	vst v63  }
0x2f: {  	_ =	swait.ge [sflag:s11], $0x4000  }
0x30: {  	[sflag:s11] =	ssyncset.done $0x0  }
0x31: {  	[sflag:s11] =	ssyncadd.s32 $0xFFFFC000  }
0x32: {  	s20 =	simm.s32 $0x0;
	_ =	swait.ge [sflag:s12], $0x4000  }
0x33: {  	s31 =	sand.u32 $0x40, s20;
	s20 =	sand.u32 $0x7F00, s20;
	[sflag:s12] =	ssyncset.done $0x0  }
0x34: {  	s20 =	sor.u32 s31, s20;
	[sflag:s12] =	ssyncadd.s32 $0xFFFFC000  }
0x35: {  	v4 =	vld [tilespmem:s20+$0x30]  }
0x36: {  	v3 =	vld [tilespmem:s20+$0x20]  }
0x37: {  	v2 =	vld [tilespmem:s20+$0x8000]  }
0x38: {  	v7 =	vld [tilespmem:s20+$0x0]  }
0x39: {  	v6 =	vld [tilespmem:s20+$0x10]  }
0x3a: {  	s21 =	simm.s32 $0x0;
	s22 =	simm.s32 $0x80;
	s23 =	simm.s32 $0x40;
	v5 =	vld [tilespmem:s20+$0x8010]  }
.LBB2_11:
0x3b: {  	s24 =	sand.u32 $0x40, s23;
	s25 =	sand.u32 $0x7F00, s22;
	v8 =	vld [tilespmem:s20+$0x8020]  }
0x3c: {  	s21 =	sadd.s32 $0x4, s21;
	v9 =	vld [tilespmem:s20+$0x8030];
	s20 =	sor.u32 s24, s25  }
0x3d: {  	vm1 =	vlt.f32 v4, $5.000000000e-01;
	p0 =	slt.u32 s21, $0x3FC;
	vm0 =	vlt.f32 v7, $5.000000000e-01;
	v4 =	vld [tilespmem:s20+$0x30]  }
.Ltmp4:
0x3e: {  	vm2 =	vlt.f32 v3, $5.000000000e-01;
	v7 =	vnsel vm0, $0x0, v2;
	vm0 =	vlt.f32 v6, $5.000000000e-01;
	v3 =	vld [tilespmem:s20+$0x20];
	(pc) =	sbr.rel @p0 .LBB2_11-.Ltmp4, $4  }
0x3f: {  	v0 =	vadd.s32 v0, v2;
	v1 =	vadd.s32 v1, v7;
	v2 =	vld [tilespmem:s20+$0x8000];
	v6 =	vnsel vm0, $0x0, v5  }
0x40: {  	v0 =	vadd.s32 v5, v0;
	v7 =	vld [tilespmem:s20+$0x0];
	v1 =	vadd.s32 v6, v1;
	v5 =	vnsel vm2, $0x0, v8  }
0x41: {  	v0 =	vadd.s32 v8, v0;
	v6 =	vld [tilespmem:s20+$0x10];
	v1 =	vadd.s32 v5, v1;
	v8 =	vnsel vm1, $0x0, v9  }
0x42: {  	s22 =	sadd.s32 $0x80, s22;
	s23 =	sadd.s32 $0x40, s23;
	v0 =	vadd.s32 v9, v0;
	v5 =	vld [tilespmem:s20+$0x8010];
	v1 =	vadd.s32 v8, v1  }
0x43: {  	v8 =	vld [tilespmem:s20+$0x8020]  }
0x44: {  	v9 =	vld [tilespmem:s20+$0x8030]  }
0x45: {  	vm1 =	vlt.f32 v4, $5.000000000e-01;
	p0 =	seq.s32 s18, $0x6;
	vm0 =	vlt.f32 v7, $5.000000000e-01  }
.Ltmp5:
0x46: {  	vm2 =	vlt.f32 v3, $5.000000000e-01;
	v63 =	vnsel vm0, $0x0, v2;
	vm15 =	vlt.f32 v6, $5.000000000e-01;
	(pc) =	sbr.rel @p0 .LBB2_18-.Ltmp5, $4  }
0x47: {  	v0 =	vadd.s32 v0, v2;
	v1 =	vadd.s32 v1, v63;
	v2 =	vnsel vm15, $0x0, v5  }
0x48: {  	v0 =	vadd.s32 v5, v0;
	v1 =	vadd.s32 v2, v1;
	v2 =	vnsel vm2, $0x0, v8  }
0x49: {  	v1 =	vadd.s32 v2, v1;
	v2 =	vadd.s32 v8, v0;
	v0 =	vnsel vm1, $0x0, v9  }
0x4a: {  	v0 =	vadd.s32 v0, v1;
	v1 =	vadd.s32 v9, v2  }
0x4b: {  	s19 =	sadd.s32 s19, s8  }
0x4c: {  	s19 =	sshrl.u32 s19, $0x3  }
0x4d: {  	s21 =	simm.s32 $0x0;
	s20 =	sadd.s32 s1, s19  }
0x4e: {  	s22 =	simm.s32 $0x10;
	s23 =	simm.s32 $0x100;
	s24 =	sadd.s32 $0x0, s20  }
.LBB2_14:
0x4f: {  	[tilespmem:s21], [sflag:$0x1] =	stream.linear.gather [hbm4b:s24+s4], $0x80, $0x38;
	[tilespmem:$0x10100] =	vst v63  }
0x50: {  	s24 =	smov.u32 s22;
	s21 =	smov.u32 s23;
	p0 =	sne.s32 s22, $0x7F0  }
.Ltmp6:
0x51: {  	s22 =	sadd.s32 $0x10, s22;
	(pc) =	sbr.rel @p0 .LBB2_14-.Ltmp6, $2  }
0x52: {  	_ =	sdelay $0x2  }
0x53: {  	s23 =	sadd.s32 $0x100, s23;
	s24 =	sadd.s32 s24, s20  }
0x54: {  	[tilespmem:s21], [sflag:$0x1] =	stream.linear.gather [hbm4b:s24+s4], $0x80, $0x38;
	[tilespmem:$0x10100] =	vst v63  }
0x55: {  	s19 =	sadd.s32 s3, s19;
	s20 =	simm.s32 $0x8000  }
0x56: {  	s21 =	simm.s32 $0x10;
	s22 =	simm.s32 $0x8100;
	s23 =	sadd.s32 $0x0, s19  }
.LBB2_16:
0x57: {  	[tilespmem:s20], [sflag:$0x3] =	stream.linear.gather [hbm4b:s23+s4], $0x80, $0x38;
	[tilespmem:$0x10100] =	vst v63  }
0x58: {  	s23 =	smov.u32 s21;
	s20 =	smov.u32 s22;
	p0 =	sne.s32 s21, $0x7F0  }
.Ltmp7:
0x59: {  	s21 =	sadd.s32 $0x10, s21;
	(pc) =	sbr.rel @p0 .LBB2_16-.Ltmp7, $2  }
0x5a: {  	_ =	sdelay $0x2  }
0x5b: {  	s22 =	sadd.s32 $0x100, s22;
	s23 =	sadd.s32 s23, s19  }
0x5c: {  	[tilespmem:s20], [sflag:$0x3] =	stream.linear.gather [hbm4b:s23+s4], $0x80, $0x38;
	[tilespmem:$0x10100] =	vst v63  }
.LBB2_18:
0x5d: {  	_ =	swait.ge [sflag:s13], $0x4000  }
0x5e: {  	p0 =	por $0x0, $0x0;
	s19 =	simm.s32 $0x1;
	[sflag:s13] =	ssyncset.done $0x0  }
0x5f: {  	s19 =	simm.s32 @!p0 $0x0;
	[sflag:s13] =	ssyncadd.s32 $0xFFFFC000  }
0x60: {  	s19 =	sshll.u32 s19, $0x6;
	_ =	swait.ge [sflag:s14], $0x4000  }
0x61: {  	s19 =	sadd.s32 $0x0, s19;
	[sflag:s14] =	ssyncset.done $0x0  }
0x62: {  	s20 =	sor.u32 $0xB0, s19;
	[sflag:s14] =	ssyncadd.s32 $0xFFFFC000  }
0x63: {  	s21 =	sor.u32 $0xA0, s19;
	v3 =	vld [tilespmem:s20+$0x0]  }
0x64: {  	s22 =	sor.u32 $0x80, s19;
	v4 =	vld [tilespmem:s21+$0x0]  }
0x65: {  	v7 =	vld [tilespmem:s22+$0x8000]  }
0x66: {  	p0 =	por !p0, !p0;
	s19 =	sor.u32 $0x90, s19;
	v8 =	vld [tilespmem:s22+$0x0];
	s22 =	simm.s32 $0x1  }
0x67: {  	v9 =	vld [tilespmem:s19+$0x0];
	s22 =	simm.s32 @!p0 $0x0  }
0x68: {  	v10 =	vld [tilespmem:s19+$0x8000];
	s22 =	sshll.u32 s22, $0x6  }
0x69: {  	v6 =	vld [tilespmem:s21+$0x8000];
	s23 =	sadd.s32 $0x80, s22  }
0x6a: {  	v5 =	vld [tilespmem:s20+$0x8000];
	s19 =	sor.u32 $0xB0, s23  }
0x6b: {  	s20 =	sor.u32 $0xA0, s23;
	v2 =	vld [tilespmem:s19+$0x0];
	vm1 =	vlt.f32 v8, $5.000000000e-01;
	vm0 =	vlt.f32 v3, $5.000000000e-01  }
0x6c: {  	s24 =	sor.u32 $0x80, s23;
	v3 =	vld [tilespmem:s20+$0x0];
	vm2 =	vlt.f32 v4, $5.000000000e-01;
	v8 =	vnsel vm1, $0x0, v7;
	vm1 =	vlt.f32 v9, $5.000000000e-01  }
0x6d: {  	s21 =	simm.s32 $0x80;
	v4 =	vld [tilespmem:s24+$0x8000];
	v1 =	vadd.s32 v1, v7;
	v8 =	vadd.s32 v0, v8;
	v7 =	vnsel vm1, $0x0, v10  }
0x6e: {  	p0 =	por !p0, !p0;
	s22 =	simm.s32 $0x4;
	s23 =	sor.u32 $0x90, s23;
	v1 =	vadd.s32 v10, v1;
	v0 =	vld [tilespmem:s24+$0x0];
	v7 =	vadd.s32 v7, v8;
	v8 =	vnsel vm2, $0x0, v6  }
.LBB2_19:
0x6f: {  	s24 =	simm.s32 $0x1  }
0x70: {  	v9 =	vld [tilespmem:s23+$0x0];
	v7 =	vadd.s32 v8, v7;
	v1 =	vadd.s32 v6, v1;
	v6 =	vnsel vm0, $0x0, v5;
	s24 =	simm.s32 @!p0 $0x0  }
0x71: {  	s21 =	sadd.s32 $0x80, s21;
	s22 =	sadd.s32 $0x4, s22;
	v7 =	vadd.s32 v6, v7;
	v1 =	vadd.s32 v5, v1;
	s24 =	sshll.u32 s24, $0x6;
	v8 =	vld [tilespmem:s23+$0x8000]  }
0x72: {  	p1 =	slt.u32 s22, $0x3FC;
	s23 =	sadd.s32 s24, s21;
	v6 =	vld [tilespmem:s20+$0x8000]  }
.Ltmp8:
0x73: {  	v5 =	vld [tilespmem:s19+$0x8000];
	s19 =	sor.u32 $0xB0, s23;
	(pc) =	sbr.rel @p1 .LBB2_19-.Ltmp8, $4  }
0x74: {  	vm0 =	vlt.f32 v2, $5.000000000e-01;
	s20 =	sor.u32 $0xA0, s23;
	vm1 =	vlt.f32 v0, $5.000000000e-01;
	v2 =	vld [tilespmem:s19+$0x0]  }
0x75: {  	vm2 =	vlt.f32 v3, $5.000000000e-01;
	s24 =	sor.u32 $0x80, s23;
	v0 =	vnsel vm1, $0x0, v4;
	vm1 =	vlt.f32 v9, $5.000000000e-01;
	v3 =	vld [tilespmem:s20+$0x0]  }
0x76: {  	v1 =	vadd.s32 v1, v4;
	v7 =	vadd.s32 v7, v0;
	v4 =	vld [tilespmem:s24+$0x8000];
	v9 =	vnsel vm1, $0x0, v8  }
0x77: {  	p0 =	por !p0, !p0;
	s23 =	sor.u32 $0x90, s23;
	v1 =	vadd.s32 v8, v1;
	v0 =	vld [tilespmem:s24+$0x0];
	v7 =	vadd.s32 v9, v7;
	v8 =	vnsel vm2, $0x0, v6  }
0x78: {  	v9 =	vld [tilespmem:s23+$0x0]  }
0x79: {  	v10 =	vld [tilespmem:s23+$0x8000]  }
0x7a: {  	v7 =	vadd.s32 v8, v7;
	v61 =	vnsel vm0, $0x0, v5;
	v11 =	vld [tilespmem:s20+$0x8000]  }
0x7b: {  	v1 =	vadd.s32 v6, v1;
	v63 =	vld [tilespmem:s19+$0x8000];
	s18 =	sadd.s32 $0x1, s18;
	v62 =	vadd.s32 v61, v7  }
0x7c: {  	v1 =	vadd.s32 v5, v1;
	vm1 =	vlt.f32 v2, $5.000000000e-01;
	p0 =	sne.s32 s18, $0x7;
	vm14 =	vlt.f32 v0, $5.000000000e-01  }
.Ltmp9:
0x7d: {  	vm2 =	vlt.f32 v3, $5.000000000e-01;
	v0 =	vnsel vm14, $0x0, v4;
	vm15 =	vlt.f32 v9, $5.000000000e-01;
	(pc) =	sbr.rel @p0 .LBB2_6-.Ltmp9, $4  }
0x7e: {  	v1 =	vadd.s32 v1, v4;
	v0 =	vadd.s32 v62, v0;
	v2 =	vnsel vm15, $0x0, v10  }
0x7f: {  	v1 =	vadd.s32 v10, v1;
	v0 =	vadd.s32 v2, v0;
	v2 =	vnsel vm2, $0x0, v11  }
0x80: {  	v0 =	vadd.s32 v2, v0;
	v2 =	vadd.s32 v11, v1;
	v1 =	vnsel vm1, $0x0, v63  }
0x81: {  	v1 =	vadd.s32 v1, v0;
	v0 =	vadd.s32 v63, v2  }
0x82: {  	s17 =	sadd.s32 $0x1, s17  }
0x83: {  	[tilespmem:$0x10000] =	vst v1;
	p0 =	sne.s32 s17, s10  }
.Ltmp10:
0x84: {  	[tilespmem:$0x10080] =	vst v0;
	(pc) =	sbr.rel @p0 .LBB2_1-.Ltmp10, $4  }
0x85: {  	[hbm4b:s9+s4] =	stream.linear.scatter [tilespmem:s15], [sflag:$0x5], $0x100, $0x38;
	[tilespmem:$0x10100] =	vst v63  }
0x86: {  	_ =	swait.ge [sflag:s16], $0x100  }
0x87: {  	[sflag:s16] =	ssyncset.done $0x0  }
0x88: {  	[sflag:s16] =	ssyncadd.s32 $0xFFFFFF00  }
0x89: {  	_ =	sfence.sel $0x180000  }
0x8a: {  	[bflag:$0x0] =	sbarrier.arrive $0xFFFF  }
0x8b: {  	p0 =	sne.s32 s0, $0x0;
	_ =	strace $0x90000047  }
0x8c: {  	s0 =	sadd.s32 @!p0 $0x100000, s2;
	[bflag:$0x2] =	sbarrier.arrive $0xFFFF  }
0x8d: {  	[sflag:s0] =	ssyncadd.tile.s32 @!p0 $0x1;
	_ =	shalt  }
.Lfunc_end2:
_tile_overlayer_lowered:
.L_overlay_start_2:
0x8e: {  	(tag) =	ssettag $0x2  }
0x8f: {  	s0 =	rddreg [dreg:$0x0];
	s2 =	stileid.u32  }
0x90: {  	s1 =	rddreg [dreg:$0x1];
	p0 =	sne.s32 s2, $0x0  }
0x91: {  	s3 =	rddreg [dreg:$0x2];
	[bflag:$0x3] =	sbarrier.arrive $0xFFFF;
	s2 =	simm.s32 @!p0 $0x1C05  }
0x92: {  	[timem:s3], [sflag:s2] =	dma.local @!p0 [hbm:s0], s1  }
0x93: {  	s0 =	simm.s32 @!p0 $0x5  }
0x94: {  	_ =	swait.ge @!p0 [sflag:s0], s1  }
0x95: {  	s1 =	ssub.s32 @!p0 $0x0, s1;
	[sflag:s0] =	ssyncset.done @!p0 $0x0  }
0x96: {  	[sflag:s0] =	ssyncadd.s32 @!p0 s1  }
0x97: {  	[bflag:$0x3] =	sbarrier.arrive $0xFFFF  }
0x98: {  	_ =	shalt  }

</sc_bundles>
